<compile_context>
chip_gen: v7x
topology: tpu7x:2x2x1
jax: 0.10.2.dev20260603
libtpu: 0.0.44.dev20260713+nightly
codegen_flags: <defaults>
</compile_context>

<pallas_src>
import jax
import jax.numpy as jnp
from jax import lax
from jax.experimental import pallas as pl
from jax.experimental.pallas import tpu as pltpu
from jax.experimental.pallas import tpu_sc as plsc

D_MODEL = 128
CHUNK = 128


def _embed_lookup(x_flat, weight, nw, n_chunks):
    mesh = plsc.VectorSubcoreMesh(core_axis_name="c", subcore_axis_name="s")
    nc = mesh.num_cores

    nbuf = 2
    gpb = 2
    rows_per_buf = gpb * CHUNK
    n_sto = n_chunks // gpb
    assert n_sto % nbuf == 0 and n_sto > 2 * nbuf

    @pl.kernel(
        out_type=jax.ShapeDtypeStruct((nw, n_sto, rows_per_buf, D_MODEL), jnp.float32),
        mesh=mesh,
        scratch_types=[
            pltpu.VMEM((n_chunks, CHUNK), jnp.int32),
            *([pltpu.VMEM((rows_per_buf, D_MODEL), jnp.float32)] * nbuf),
            *([pltpu.SemaphoreType.DMA] * (2 * nbuf)),
        ],
    )
    def k(x_hbm, w_hbm, out_hbm, idx_v, *bufs_and_sems):
        bufs = bufs_and_sems[:nbuf]
        gsem = bufs_and_sems[nbuf : 2 * nbuf]
        ssem = bufs_and_sems[2 * nbuf :]
        wid = lax.axis_index("s") * nc + lax.axis_index("c")
        pltpu.sync_copy(x_hbm.at[wid], idx_v)

        def start_gathers(b, t):
            for g in range(gpb):
                pltpu.async_copy(
                    w_hbm.at[idx_v.at[t * gpb + g]],
                    bufs[b].at[pl.ds(g * CHUNK, CHUNK)],
                    gsem[b],
                )

        def wait_gathers(b):
            for g in range(gpb):
                pltpu.make_async_copy(
                    w_hbm.at[idx_v.at[0]], bufs[b].at[pl.ds(g * CHUNK, CHUNK)], gsem[b]
                ).wait()

        def wait_store(b, t):
            pltpu.make_async_copy(bufs[b], out_hbm.at[wid, t], ssem[b]).wait()

        for b in range(nbuf):
            start_gathers(b, b)

        @pl.loop(0, n_sto - nbuf, step=nbuf)
        def _(j):
            for b in range(nbuf):
                t = j + b
                wait_gathers(b)
                pltpu.async_copy(bufs[b], out_hbm.at[wid, t], ssem[b])
                wait_store(b, t)
                start_gathers(b, t + nbuf)

        for b in range(nbuf):
            t = n_sto - nbuf + b
            wait_gathers(b)
            pltpu.async_copy(bufs[b], out_hbm.at[wid, t], ssem[b])
        for b in range(nbuf):
            wait_store(b, n_sto - nbuf + b)

    return k(x_flat, weight)


@jax.jit
def kernel(x, weight):
    batch, hist = x.shape
    total = batch * hist
    info = plsc.get_sparse_core_info()
    nw = info.num_cores * info.num_subcores
    n_chunks = total // (nw * CHUNK)
    x_flat = x.astype(jnp.int32).reshape(nw, n_chunks, CHUNK)
    out = _embed_lookup(x_flat, weight, nw, n_chunks)
    return out.reshape(batch, hist, weight.shape[1])

# --- scband reference (transcript-rebuilt; emitter-appended) ---
"""Pipeline reference for scband-word-embedding-84516366451378 (READ-ONLY COPY).

The authoritative reference and input builder live on the scoring server;
editing this copy changes nothing except your own understanding.
"""

import jax, jax.numpy as jnp
import numpy as np

VOCAB = 100000
D_MODEL = 128
BATCH = 4096
HIST = 200

def setup_inputs(seed: int = 0) -> dict:
    key = jax.random.key(seed)
    k1, k2 = jax.random.split(key)
    x = jax.random.randint(k1, (BATCH, HIST), 0, VOCAB, dtype=jnp.int64 if jax.config.read('jax_enable_x64') else jnp.int32)
    weight = jax.random.normal(k2, (VOCAB, D_MODEL), dtype=jnp.float32)
    # padding_idx=0: torch initializes the padding row to zeros
    weight = weight.at[0].set(0.0)
    return {"x": x, "weight": weight}

def reference(x, weight):
    # nn.Embedding(vocab, d_model, padding_idx=0): pure gather
    return jnp.take(weight, x, axis=0)

if __name__ == "__main__":
    import jax
    _d = setup_inputs()
    print(jax.jit(kernel)(*tuple(_d.values())))

</pallas_src>

<mosaic_0001>
#map = affine_map<(d0, d1) -> (0, 0, 0)>
#map1 = affine_map<(d0, d1) -> (0, 0)>
#map2 = affine_map<(d0, d1) -> (0, 0, 0, 0)>
module attributes {stable_mosaic.version = 14 : i64} {
  func.func @k(%arg0: i32, %arg1: i32, %arg2: memref<32x200x128xi32, #tpu.memory_space<hbm>>, %arg3: memref<100000x128xf32, #tpu.memory_space<hbm>>, %arg4: memref<32x100x256x128xf32, #tpu.memory_space<hbm>>, %arg5: memref<200x128xi32, #tpu.memory_space<vmem>>, %arg6: memref<256x128xf32, #tpu.memory_space<vmem>>, %arg7: memref<256x128xf32, #tpu.memory_space<vmem>>, %arg8: memref<!tpu.dma_semaphore, #tpu.memory_space<semaphore_mem>>, %arg9: memref<!tpu.dma_semaphore, #tpu.memory_space<semaphore_mem>>, %arg10: memref<!tpu.dma_semaphore, #tpu.memory_space<semaphore_mem>>, %arg11: memref<!tpu.dma_semaphore, #tpu.memory_space<semaphore_mem>>) attributes {dimension_semantics = [#tpu.dimension_semantics<core_parallel>, #tpu.dimension_semantics<subcore_parallel>], iteration_bounds = array<i64: 2, 16>, scalar_prefetch = 0 : i64, scratch_operands = 7 : i64, tpu.core_type = #tpu.core_type<sc_vector_subcore>, window_params = [{transform_indices = #map}, {transform_indices = #map1}, {transform_indices = #map2}]} {
    %mul3A = arith.constant 2 : i32
    %mul3A_0 = arith.muli %arg1, %mul3A : i32
    %add3A = arith.addi %mul3A_0, %arg0 : i32
    "tpu.region"() ({
      %run_scoped3A = tpu.sem_alloc : memref<!tpu.dma_semaphore, #tpu.memory_space<semaphore_mem>>
      %dma_start3A_119 = arith.constant 0 : i32
      %dma_start3A_120 = arith.constant 0 : i32
      %dma_start3A_121 = tpu.memref_slice %arg2[%add3A, %dma_start3A_119, %dma_start3A_120] : memref<32x200x128xi32, #tpu.memory_space<hbm>> -> memref<1x200x128xi32, #tpu.memory_space<hbm>>
      %dma_start3A_122 = tpu.memref_squeeze %dma_start3A_121 : memref<1x200x128xi32, #tpu.memory_space<hbm>> -> memref<200x128xi32, #tpu.memory_space<hbm>>
      %dma_start3A_123 = arith.constant 0 : i32
      %dma_start3A_124 = arith.constant 0 : i32
      %dma_start3A_125 = tpu.memref_slice %arg2[%add3A, %dma_start3A_123, %dma_start3A_124] : memref<32x200x128xi32, #tpu.memory_space<hbm>> -> memref<1x200x128xi32, #tpu.memory_space<hbm>>
      %dma_start3A_126 = tpu.memref_squeeze %dma_start3A_125 : memref<1x200x128xi32, #tpu.memory_space<hbm>> -> memref<200x128xi32, #tpu.memory_space<hbm>>
      tpu.enqueue_dma source(%dma_start3A_126 : memref<200x128xi32, #tpu.memory_space<hbm>>) target(%arg5 : memref<200x128xi32, #tpu.memory_space<vmem>>) target_semaphore(%run_scoped3A : memref<!tpu.dma_semaphore, #tpu.memory_space<semaphore_mem>>)
      %dma_wait3A_127 = arith.constant 0 : i32
      %dma_wait3A_128 = arith.constant 0 : i32
      %dma_wait3A_129 = tpu.memref_slice %arg2[%add3A, %dma_wait3A_127, %dma_wait3A_128] : memref<32x200x128xi32, #tpu.memory_space<hbm>> -> memref<1x200x128xi32, #tpu.memory_space<hbm>>
      %dma_wait3A_130 = tpu.memref_squeeze %dma_wait3A_129 : memref<1x200x128xi32, #tpu.memory_space<hbm>> -> memref<200x128xi32, #tpu.memory_space<hbm>>
      %dma_wait3A_131 = arith.constant 0 : i32
      %dma_wait3A_132 = arith.constant 0 : i32
      %dma_wait3A_133 = tpu.memref_slice %arg2[%add3A, %dma_wait3A_131, %dma_wait3A_132] : memref<32x200x128xi32, #tpu.memory_space<hbm>> -> memref<1x200x128xi32, #tpu.memory_space<hbm>>
      %dma_wait3A_134 = tpu.memref_squeeze %dma_wait3A_133 : memref<1x200x128xi32, #tpu.memory_space<hbm>> -> memref<200x128xi32, #tpu.memory_space<hbm>>
      tpu.wait_dma2 semaphore(%run_scoped3A : memref<!tpu.dma_semaphore, #tpu.memory_space<semaphore_mem>>) src(%dma_wait3A_134 : memref<200x128xi32, #tpu.memory_space<hbm>>) dst(%arg5 : memref<200x128xi32, #tpu.memory_space<vmem>>)
      tpu.yield
    }) : () -> ()
    %dma_start3A = arith.constant 0 : i32
    %dma_start3A_1 = arith.constant 0 : i32
    %dma_start3A_2 = arith.constant 0 : i32
    %dma_start3A_3 = tpu.memref_slice %arg6[%dma_start3A_1, %dma_start3A_2] : memref<256x128xf32, #tpu.memory_space<vmem>> -> memref<128x128xf32, #tpu.memory_space<vmem>>
    %dma_start3A_4 = arith.constant 0 : i32
    %dma_start3A_5 = tpu.memref_slice %arg5[%dma_start3A, %dma_start3A_4] : memref<200x128xi32, #tpu.memory_space<vmem>> -> memref<1x128xi32, #tpu.memory_space<vmem>>
    %dma_start3A_6 = tpu.memref_squeeze %dma_start3A_5 : memref<1x128xi32, #tpu.memory_space<vmem>> -> memref<128xi32, #tpu.memory_space<vmem>>
    %dma_start3A_7 = arith.constant 0 : i32
    %dma_start3A_8 = arith.constant 0 : i32
    %dma_start3A_9 = tpu.memref_slice %arg3[%dma_start3A_7, %dma_start3A_8] : memref<100000x128xf32, #tpu.memory_space<hbm>> -> memref<100000x128xf32, #tpu.memory_space<hbm>>
    tpu.enqueue_indirect_dma source(%dma_start3A_9 : memref<100000x128xf32, #tpu.memory_space<hbm>>) target(%dma_start3A_3 : memref<128x128xf32, #tpu.memory_space<vmem>>) offsets(%dma_start3A_6 : memref<128xi32, #tpu.memory_space<vmem>>) semaphore(%arg8 : memref<!tpu.dma_semaphore, #tpu.memory_space<semaphore_mem>>)
    %dma_start3A_10 = arith.constant 1 : i32
    %dma_start3A_11 = arith.constant 128 : i32
    %dma_start3A_12 = arith.constant 0 : i32
    %dma_start3A_13 = tpu.memref_slice %arg6[%dma_start3A_11, %dma_start3A_12] : memref<256x128xf32, #tpu.memory_space<vmem>> -> memref<128x128xf32, #tpu.memory_space<vmem>>
    %dma_start3A_14 = arith.constant 0 : i32
    %dma_start3A_15 = tpu.memref_slice %arg5[%dma_start3A_10, %dma_start3A_14] : memref<200x128xi32, #tpu.memory_space<vmem>> -> memref<1x128xi32, #tpu.memory_space<vmem>>
    %dma_start3A_16 = tpu.memref_squeeze %dma_start3A_15 : memref<1x128xi32, #tpu.memory_space<vmem>> -> memref<128xi32, #tpu.memory_space<vmem>>
    %dma_start3A_17 = arith.constant 0 : i32
    %dma_start3A_18 = arith.constant 0 : i32
    %dma_start3A_19 = tpu.memref_slice %arg3[%dma_start3A_17, %dma_start3A_18] : memref<100000x128xf32, #tpu.memory_space<hbm>> -> memref<100000x128xf32, #tpu.memory_space<hbm>>
    tpu.enqueue_indirect_dma source(%dma_start3A_19 : memref<100000x128xf32, #tpu.memory_space<hbm>>) target(%dma_start3A_13 : memref<128x128xf32, #tpu.memory_space<vmem>>) offsets(%dma_start3A_16 : memref<128xi32, #tpu.memory_space<vmem>>) semaphore(%arg8 : memref<!tpu.dma_semaphore, #tpu.memory_space<semaphore_mem>>)
    %dma_start3A_20 = arith.constant 2 : i32
    %dma_start3A_21 = arith.constant 0 : i32
    %dma_start3A_22 = arith.constant 0 : i32
    %dma_start3A_23 = tpu.memref_slice %arg7[%dma_start3A_21, %dma_start3A_22] : memref<256x128xf32, #tpu.memory_space<vmem>> -> memref<128x128xf32, #tpu.memory_space<vmem>>
    %dma_start3A_24 = arith.constant 0 : i32
    %dma_start3A_25 = tpu.memref_slice %arg5[%dma_start3A_20, %dma_start3A_24] : memref<200x128xi32, #tpu.memory_space<vmem>> -> memref<1x128xi32, #tpu.memory_space<vmem>>
    %dma_start3A_26 = tpu.memref_squeeze %dma_start3A_25 : memref<1x128xi32, #tpu.memory_space<vmem>> -> memref<128xi32, #tpu.memory_space<vmem>>
    %dma_start3A_27 = arith.constant 0 : i32
    %dma_start3A_28 = arith.constant 0 : i32
    %dma_start3A_29 = tpu.memref_slice %arg3[%dma_start3A_27, %dma_start3A_28] : memref<100000x128xf32, #tpu.memory_space<hbm>> -> memref<100000x128xf32, #tpu.memory_space<hbm>>
    tpu.enqueue_indirect_dma source(%dma_start3A_29 : memref<100000x128xf32, #tpu.memory_space<hbm>>) target(%dma_start3A_23 : memref<128x128xf32, #tpu.memory_space<vmem>>) offsets(%dma_start3A_26 : memref<128xi32, #tpu.memory_space<vmem>>) semaphore(%arg9 : memref<!tpu.dma_semaphore, #tpu.memory_space<semaphore_mem>>)
    %dma_start3A_30 = arith.constant 3 : i32
    %dma_start3A_31 = arith.constant 128 : i32
    %dma_start3A_32 = arith.constant 0 : i32
    %dma_start3A_33 = tpu.memref_slice %arg7[%dma_start3A_31, %dma_start3A_32] : memref<256x128xf32, #tpu.memory_space<vmem>> -> memref<128x128xf32, #tpu.memory_space<vmem>>
    %dma_start3A_34 = arith.constant 0 : i32
    %dma_start3A_35 = tpu.memref_slice %arg5[%dma_start3A_30, %dma_start3A_34] : memref<200x128xi32, #tpu.memory_space<vmem>> -> memref<1x128xi32, #tpu.memory_space<vmem>>
    %dma_start3A_36 = tpu.memref_squeeze %dma_start3A_35 : memref<1x128xi32, #tpu.memory_space<vmem>> -> memref<128xi32, #tpu.memory_space<vmem>>
    %dma_start3A_37 = arith.constant 0 : i32
    %dma_start3A_38 = arith.constant 0 : i32
    %dma_start3A_39 = tpu.memref_slice %arg3[%dma_start3A_37, %dma_start3A_38] : memref<100000x128xf32, #tpu.memory_space<hbm>> -> memref<100000x128xf32, #tpu.memory_space<hbm>>
    tpu.enqueue_indirect_dma source(%dma_start3A_39 : memref<100000x128xf32, #tpu.memory_space<hbm>>) target(%dma_start3A_33 : memref<128x128xf32, #tpu.memory_space<vmem>>) offsets(%dma_start3A_36 : memref<128xi32, #tpu.memory_space<vmem>>) semaphore(%arg9 : memref<!tpu.dma_semaphore, #tpu.memory_space<semaphore_mem>>)
    %scan3A = arith.constant 0 : i32
    %scan3A_40 = arith.constant 49 : i32
    %scan3A_41 = arith.addi %scan3A, %scan3A_40 : i32
    %scan3A_42 = arith.constant 1 : i32
    scf.for %scan3A_119 = %scan3A to %scan3A_41 step %scan3A_42  : i32 {
      %mul3A_120 = arith.constant 2 : i32
      %mul3A_121 = arith.muli %scan3A_119, %mul3A_120 : i32
      %add3A_122 = arith.constant 0 : i32
      %add3A_123 = arith.addi %add3A_122, %mul3A_121 : i32
      %add3A_124 = arith.constant 0 : i32
      %add3A_125 = arith.addi %add3A_123, %add3A_124 : i32
      %dma_wait3A_126 = arith.constant 0 : i32
      %dma_wait3A_127 = arith.constant 0 : i32
      %dma_wait3A_128 = arith.constant 0 : i32
      %dma_wait3A_129 = tpu.memref_slice %arg6[%dma_wait3A_127, %dma_wait3A_128] : memref<256x128xf32, #tpu.memory_space<vmem>> -> memref<128x128xf32, #tpu.memory_space<vmem>>
      %dma_wait3A_130 = arith.constant 0 : i32
      %dma_wait3A_131 = tpu.memref_slice %arg5[%dma_wait3A_126, %dma_wait3A_130] : memref<200x128xi32, #tpu.memory_space<vmem>> -> memref<1x128xi32, #tpu.memory_space<vmem>>
      %dma_wait3A_132 = tpu.memref_squeeze %dma_wait3A_131 : memref<1x128xi32, #tpu.memory_space<vmem>> -> memref<128xi32, #tpu.memory_space<vmem>>
      %dma_wait3A_133 = arith.constant 0 : i32
      %dma_wait3A_134 = arith.constant 0 : i32
      %dma_wait3A_135 = tpu.memref_slice %arg3[%dma_wait3A_133, %dma_wait3A_134] : memref<100000x128xf32, #tpu.memory_space<hbm>> -> memref<100000x128xf32, #tpu.memory_space<hbm>>
      tpu.wait_indirect_dma semaphore(%arg8 : memref<!tpu.dma_semaphore, #tpu.memory_space<semaphore_mem>>) src(%dma_wait3A_135 : memref<100000x128xf32, #tpu.memory_space<hbm>>) dst(%dma_wait3A_129 : memref<128x128xf32, #tpu.memory_space<vmem>>)
      %dma_wait3A_136 = arith.constant 0 : i32
      %dma_wait3A_137 = arith.constant 128 : i32
      %dma_wait3A_138 = arith.constant 0 : i32
      %dma_wait3A_139 = tpu.memref_slice %arg6[%dma_wait3A_137, %dma_wait3A_138] : memref<256x128xf32, #tpu.memory_space<vmem>> -> memref<128x128xf32, #tpu.memory_space<vmem>>
      %dma_wait3A_140 = arith.constant 0 : i32
      %dma_wait3A_141 = tpu.memref_slice %arg5[%dma_wait3A_136, %dma_wait3A_140] : memref<200x128xi32, #tpu.memory_space<vmem>> -> memref<1x128xi32, #tpu.memory_space<vmem>>
      %dma_wait3A_142 = tpu.memref_squeeze %dma_wait3A_141 : memref<1x128xi32, #tpu.memory_space<vmem>> -> memref<128xi32, #tpu.memory_space<vmem>>
      %dma_wait3A_143 = arith.constant 0 : i32
      %dma_wait3A_144 = arith.constant 0 : i32
      %dma_wait3A_145 = tpu.memref_slice %arg3[%dma_wait3A_143, %dma_wait3A_144] : memref<100000x128xf32, #tpu.memory_space<hbm>> -> memref<100000x128xf32, #tpu.memory_space<hbm>>
      tpu.wait_indirect_dma semaphore(%arg8 : memref<!tpu.dma_semaphore, #tpu.memory_space<semaphore_mem>>) src(%dma_wait3A_145 : memref<100000x128xf32, #tpu.memory_space<hbm>>) dst(%dma_wait3A_139 : memref<128x128xf32, #tpu.memory_space<vmem>>)
      %dma_start3A_146 = arith.constant 0 : i32
      %dma_start3A_147 = arith.constant 0 : i32
      %dma_start3A_148 = tpu.memref_slice %arg4[%add3A, %add3A_125, %dma_start3A_146, %dma_start3A_147] : memref<32x100x256x128xf32, #tpu.memory_space<hbm>> -> memref<1x1x256x128xf32, #tpu.memory_space<hbm>>
      %dma_start3A_149 = tpu.memref_squeeze %dma_start3A_148 : memref<1x1x256x128xf32, #tpu.memory_space<hbm>> -> memref<256x128xf32, #tpu.memory_space<hbm>>
      %dma_start3A_150 = arith.constant 0 : i32
      %dma_start3A_151 = arith.constant 0 : i32
      %dma_start3A_152 = tpu.memref_slice %arg4[%add3A, %add3A_125, %dma_start3A_150, %dma_start3A_151] : memref<32x100x256x128xf32, #tpu.memory_space<hbm>> -> memref<1x1x256x128xf32, #tpu.memory_space<hbm>>
      %dma_start3A_153 = tpu.memref_squeeze %dma_start3A_152 : memref<1x1x256x128xf32, #tpu.memory_space<hbm>> -> memref<256x128xf32, #tpu.memory_space<hbm>>
      tpu.enqueue_dma source(%arg6 : memref<256x128xf32, #tpu.memory_space<vmem>>) target(%dma_start3A_153 : memref<256x128xf32, #tpu.memory_space<hbm>>) target_semaphore(%arg10 : memref<!tpu.dma_semaphore, #tpu.memory_space<semaphore_mem>>)
      %dma_wait3A_154 = arith.constant 0 : i32
      %dma_wait3A_155 = arith.constant 0 : i32
      %dma_wait3A_156 = tpu.memref_slice %arg4[%add3A, %add3A_125, %dma_wait3A_154, %dma_wait3A_155] : memref<32x100x256x128xf32, #tpu.memory_space<hbm>> -> memref<1x1x256x128xf32, #tpu.memory_space<hbm>>
      %dma_wait3A_157 = tpu.memref_squeeze %dma_wait3A_156 : memref<1x1x256x128xf32, #tpu.memory_space<hbm>> -> memref<256x128xf32, #tpu.memory_space<hbm>>
      %dma_wait3A_158 = arith.constant 0 : i32
      %dma_wait3A_159 = arith.constant 0 : i32
      %dma_wait3A_160 = tpu.memref_slice %arg4[%add3A, %add3A_125, %dma_wait3A_158, %dma_wait3A_159] : memref<32x100x256x128xf32, #tpu.memory_space<hbm>> -> memref<1x1x256x128xf32, #tpu.memory_space<hbm>>
      %dma_wait3A_161 = tpu.memref_squeeze %dma_wait3A_160 : memref<1x1x256x128xf32, #tpu.memory_space<hbm>> -> memref<256x128xf32, #tpu.memory_space<hbm>>
      tpu.wait_dma2 semaphore(%arg10 : memref<!tpu.dma_semaphore, #tpu.memory_space<semaphore_mem>>) src(%arg6 : memref<256x128xf32, #tpu.memory_space<vmem>>) dst(%dma_wait3A_161 : memref<256x128xf32, #tpu.memory_space<hbm>>)
      %add3A_162 = arith.constant 2 : i32
      %add3A_163 = arith.addi %add3A_125, %add3A_162 : i32
      %mul3A_164 = arith.constant 2 : i32
      %mul3A_165 = arith.muli %add3A_163, %mul3A_164 : i32
      %add3A_166 = arith.constant 0 : i32
      %add3A_167 = arith.addi %mul3A_165, %add3A_166 : i32
      %dma_start3A_168 = arith.constant 0 : i32
      %dma_start3A_169 = arith.constant 0 : i32
      %dma_start3A_170 = tpu.memref_slice %arg6[%dma_start3A_168, %dma_start3A_169] : memref<256x128xf32, #tpu.memory_space<vmem>> -> memref<128x128xf32, #tpu.memory_space<vmem>>
      %dma_start3A_171 = arith.constant 0 : i32
      %dma_start3A_172 = tpu.memref_slice %arg5[%add3A_167, %dma_start3A_171] : memref<200x128xi32, #tpu.memory_space<vmem>> -> memref<1x128xi32, #tpu.memory_space<vmem>>
      %dma_start3A_173 = tpu.memref_squeeze %dma_start3A_172 : memref<1x128xi32, #tpu.memory_space<vmem>> -> memref<128xi32, #tpu.memory_space<vmem>>
      %dma_start3A_174 = arith.constant 0 : i32
      %dma_start3A_175 = arith.constant 0 : i32
      %dma_start3A_176 = tpu.memref_slice %arg3[%dma_start3A_174, %dma_start3A_175] : memref<100000x128xf32, #tpu.memory_space<hbm>> -> memref<100000x128xf32, #tpu.memory_space<hbm>>
      tpu.enqueue_indirect_dma source(%dma_start3A_176 : memref<100000x128xf32, #tpu.memory_space<hbm>>) target(%dma_start3A_170 : memref<128x128xf32, #tpu.memory_space<vmem>>) offsets(%dma_start3A_173 : memref<128xi32, #tpu.memory_space<vmem>>) semaphore(%arg8 : memref<!tpu.dma_semaphore, #tpu.memory_space<semaphore_mem>>)
      %mul3A_177 = arith.constant 2 : i32
      %mul3A_178 = arith.muli %add3A_163, %mul3A_177 : i32
      %add3A_179 = arith.constant 1 : i32
      %add3A_180 = arith.addi %mul3A_178, %add3A_179 : i32
      %dma_start3A_181 = arith.constant 128 : i32
      %dma_start3A_182 = arith.constant 0 : i32
      %dma_start3A_183 = tpu.memref_slice %arg6[%dma_start3A_181, %dma_start3A_182] : memref<256x128xf32, #tpu.memory_space<vmem>> -> memref<128x128xf32, #tpu.memory_space<vmem>>
      %dma_start3A_184 = arith.constant 0 : i32
      %dma_start3A_185 = tpu.memref_slice %arg5[%add3A_180, %dma_start3A_184] : memref<200x128xi32, #tpu.memory_space<vmem>> -> memref<1x128xi32, #tpu.memory_space<vmem>>
      %dma_start3A_186 = tpu.memref_squeeze %dma_start3A_185 : memref<1x128xi32, #tpu.memory_space<vmem>> -> memref<128xi32, #tpu.memory_space<vmem>>
      %dma_start3A_187 = arith.constant 0 : i32
      %dma_start3A_188 = arith.constant 0 : i32
      %dma_start3A_189 = tpu.memref_slice %arg3[%dma_start3A_187, %dma_start3A_188] : memref<100000x128xf32, #tpu.memory_space<hbm>> -> memref<100000x128xf32, #tpu.memory_space<hbm>>
      tpu.enqueue_indirect_dma source(%dma_start3A_189 : memref<100000x128xf32, #tpu.memory_space<hbm>>) target(%dma_start3A_183 : memref<128x128xf32, #tpu.memory_space<vmem>>) offsets(%dma_start3A_186 : memref<128xi32, #tpu.memory_space<vmem>>) semaphore(%arg8 : memref<!tpu.dma_semaphore, #tpu.memory_space<semaphore_mem>>)
      %add3A_190 = arith.constant 1 : i32
      %add3A_191 = arith.addi %add3A_123, %add3A_190 : i32
      %dma_wait3A_192 = arith.constant 0 : i32
      %dma_wait3A_193 = arith.constant 0 : i32
      %dma_wait3A_194 = arith.constant 0 : i32
      %dma_wait3A_195 = tpu.memref_slice %arg7[%dma_wait3A_193, %dma_wait3A_194] : memref<256x128xf32, #tpu.memory_space<vmem>> -> memref<128x128xf32, #tpu.memory_space<vmem>>
      %dma_wait3A_196 = arith.constant 0 : i32
      %dma_wait3A_197 = tpu.memref_slice %arg5[%dma_wait3A_192, %dma_wait3A_196] : memref<200x128xi32, #tpu.memory_space<vmem>> -> memref<1x128xi32, #tpu.memory_space<vmem>>
      %dma_wait3A_198 = tpu.memref_squeeze %dma_wait3A_197 : memref<1x128xi32, #tpu.memory_space<vmem>> -> memref<128xi32, #tpu.memory_space<vmem>>
      %dma_wait3A_199 = arith.constant 0 : i32
      %dma_wait3A_200 = arith.constant 0 : i32
      %dma_wait3A_201 = tpu.memref_slice %arg3[%dma_wait3A_199, %dma_wait3A_200] : memref<100000x128xf32, #tpu.memory_space<hbm>> -> memref<100000x128xf32, #tpu.memory_space<hbm>>
      tpu.wait_indirect_dma semaphore(%arg9 : memref<!tpu.dma_semaphore, #tpu.memory_space<semaphore_mem>>) src(%dma_wait3A_201 : memref<100000x128xf32, #tpu.memory_space<hbm>>) dst(%dma_wait3A_195 : memref<128x128xf32, #tpu.memory_space<vmem>>)
      %dma_wait3A_202 = arith.constant 0 : i32
      %dma_wait3A_203 = arith.constant 128 : i32
      %dma_wait3A_204 = arith.constant 0 : i32
      %dma_wait3A_205 = tpu.memref_slice %arg7[%dma_wait3A_203, %dma_wait3A_204] : memref<256x128xf32, #tpu.memory_space<vmem>> -> memref<128x128xf32, #tpu.memory_space<vmem>>
      %dma_wait3A_206 = arith.constant 0 : i32
      %dma_wait3A_207 = tpu.memref_slice %arg5[%dma_wait3A_202, %dma_wait3A_206] : memref<200x128xi32, #tpu.memory_space<vmem>> -> memref<1x128xi32, #tpu.memory_space<vmem>>
      %dma_wait3A_208 = tpu.memref_squeeze %dma_wait3A_207 : memref<1x128xi32, #tpu.memory_space<vmem>> -> memref<128xi32, #tpu.memory_space<vmem>>
      %dma_wait3A_209 = arith.constant 0 : i32
      %dma_wait3A_210 = arith.constant 0 : i32
      %dma_wait3A_211 = tpu.memref_slice %arg3[%dma_wait3A_209, %dma_wait3A_210] : memref<100000x128xf32, #tpu.memory_space<hbm>> -> memref<100000x128xf32, #tpu.memory_space<hbm>>
      tpu.wait_indirect_dma semaphore(%arg9 : memref<!tpu.dma_semaphore, #tpu.memory_space<semaphore_mem>>) src(%dma_wait3A_211 : memref<100000x128xf32, #tpu.memory_space<hbm>>) dst(%dma_wait3A_205 : memref<128x128xf32, #tpu.memory_space<vmem>>)
      %dma_start3A_212 = arith.constant 0 : i32
      %dma_start3A_213 = arith.constant 0 : i32
      %dma_start3A_214 = tpu.memref_slice %arg4[%add3A, %add3A_191, %dma_start3A_212, %dma_start3A_213] : memref<32x100x256x128xf32, #tpu.memory_space<hbm>> -> memref<1x1x256x128xf32, #tpu.memory_space<hbm>>
      %dma_start3A_215 = tpu.memref_squeeze %dma_start3A_214 : memref<1x1x256x128xf32, #tpu.memory_space<hbm>> -> memref<256x128xf32, #tpu.memory_space<hbm>>
      %dma_start3A_216 = arith.constant 0 : i32
      %dma_start3A_217 = arith.constant 0 : i32
      %dma_start3A_218 = tpu.memref_slice %arg4[%add3A, %add3A_191, %dma_start3A_216, %dma_start3A_217] : memref<32x100x256x128xf32, #tpu.memory_space<hbm>> -> memref<1x1x256x128xf32, #tpu.memory_space<hbm>>
      %dma_start3A_219 = tpu.memref_squeeze %dma_start3A_218 : memref<1x1x256x128xf32, #tpu.memory_space<hbm>> -> memref<256x128xf32, #tpu.memory_space<hbm>>
      tpu.enqueue_dma source(%arg7 : memref<256x128xf32, #tpu.memory_space<vmem>>) target(%dma_start3A_219 : memref<256x128xf32, #tpu.memory_space<hbm>>) target_semaphore(%arg11 : memref<!tpu.dma_semaphore, #tpu.memory_space<semaphore_mem>>)
      %dma_wait3A_220 = arith.constant 0 : i32
      %dma_wait3A_221 = arith.constant 0 : i32
      %dma_wait3A_222 = tpu.memref_slice %arg4[%add3A, %add3A_191, %dma_wait3A_220, %dma_wait3A_221] : memref<32x100x256x128xf32, #tpu.memory_space<hbm>> -> memref<1x1x256x128xf32, #tpu.memory_space<hbm>>
      %dma_wait3A_223 = tpu.memref_squeeze %dma_wait3A_222 : memref<1x1x256x128xf32, #tpu.memory_space<hbm>> -> memref<256x128xf32, #tpu.memory_space<hbm>>
      %dma_wait3A_224 = arith.constant 0 : i32
      %dma_wait3A_225 = arith.constant 0 : i32
      %dma_wait3A_226 = tpu.memref_slice %arg4[%add3A, %add3A_191, %dma_wait3A_224, %dma_wait3A_225] : memref<32x100x256x128xf32, #tpu.memory_space<hbm>> -> memref<1x1x256x128xf32, #tpu.memory_space<hbm>>
      %dma_wait3A_227 = tpu.memref_squeeze %dma_wait3A_226 : memref<1x1x256x128xf32, #tpu.memory_space<hbm>> -> memref<256x128xf32, #tpu.memory_space<hbm>>
      tpu.wait_dma2 semaphore(%arg11 : memref<!tpu.dma_semaphore, #tpu.memory_space<semaphore_mem>>) src(%arg7 : memref<256x128xf32, #tpu.memory_space<vmem>>) dst(%dma_wait3A_227 : memref<256x128xf32, #tpu.memory_space<hbm>>)
      %add3A_228 = arith.constant 2 : i32
      %add3A_229 = arith.addi %add3A_191, %add3A_228 : i32
      %mul3A_230 = arith.constant 2 : i32
      %mul3A_231 = arith.muli %add3A_229, %mul3A_230 : i32
      %add3A_232 = arith.constant 0 : i32
      %add3A_233 = arith.addi %mul3A_231, %add3A_232 : i32
      %dma_start3A_234 = arith.constant 0 : i32
      %dma_start3A_235 = arith.constant 0 : i32
      %dma_start3A_236 = tpu.memref_slice %arg7[%dma_start3A_234, %dma_start3A_235] : memref<256x128xf32, #tpu.memory_space<vmem>> -> memref<128x128xf32, #tpu.memory_space<vmem>>
      %dma_start3A_237 = arith.constant 0 : i32
      %dma_start3A_238 = tpu.memref_slice %arg5[%add3A_233, %dma_start3A_237] : memref<200x128xi32, #tpu.memory_space<vmem>> -> memref<1x128xi32, #tpu.memory_space<vmem>>
      %dma_start3A_239 = tpu.memref_squeeze %dma_start3A_238 : memref<1x128xi32, #tpu.memory_space<vmem>> -> memref<128xi32, #tpu.memory_space<vmem>>
      %dma_start3A_240 = arith.constant 0 : i32
      %dma_start3A_241 = arith.constant 0 : i32
      %dma_start3A_242 = tpu.memref_slice %arg3[%dma_start3A_240, %dma_start3A_241] : memref<100000x128xf32, #tpu.memory_space<hbm>> -> memref<100000x128xf32, #tpu.memory_space<hbm>>
      tpu.enqueue_indirect_dma source(%dma_start3A_242 : memref<100000x128xf32, #tpu.memory_space<hbm>>) target(%dma_start3A_236 : memref<128x128xf32, #tpu.memory_space<vmem>>) offsets(%dma_start3A_239 : memref<128xi32, #tpu.memory_space<vmem>>) semaphore(%arg9 : memref<!tpu.dma_semaphore, #tpu.memory_space<semaphore_mem>>)
      %mul3A_243 = arith.constant 2 : i32
      %mul3A_244 = arith.muli %add3A_229, %mul3A_243 : i32
      %add3A_245 = arith.constant 1 : i32
      %add3A_246 = arith.addi %mul3A_244, %add3A_245 : i32
      %dma_start3A_247 = arith.constant 128 : i32
      %dma_start3A_248 = arith.constant 0 : i32
      %dma_start3A_249 = tpu.memref_slice %arg7[%dma_start3A_247, %dma_start3A_248] : memref<256x128xf32, #tpu.memory_space<vmem>> -> memref<128x128xf32, #tpu.memory_space<vmem>>
      %dma_start3A_250 = arith.constant 0 : i32
      %dma_start3A_251 = tpu.memref_slice %arg5[%add3A_246, %dma_start3A_250] : memref<200x128xi32, #tpu.memory_space<vmem>> -> memref<1x128xi32, #tpu.memory_space<vmem>>
      %dma_start3A_252 = tpu.memref_squeeze %dma_start3A_251 : memref<1x128xi32, #tpu.memory_space<vmem>> -> memref<128xi32, #tpu.memory_space<vmem>>
      %dma_start3A_253 = arith.constant 0 : i32
      %dma_start3A_254 = arith.constant 0 : i32
      %dma_start3A_255 = tpu.memref_slice %arg3[%dma_start3A_253, %dma_start3A_254] : memref<100000x128xf32, #tpu.memory_space<hbm>> -> memref<100000x128xf32, #tpu.memory_space<hbm>>
      tpu.enqueue_indirect_dma source(%dma_start3A_255 : memref<100000x128xf32, #tpu.memory_space<hbm>>) target(%dma_start3A_249 : memref<128x128xf32, #tpu.memory_space<vmem>>) offsets(%dma_start3A_252 : memref<128xi32, #tpu.memory_space<vmem>>) semaphore(%arg9 : memref<!tpu.dma_semaphore, #tpu.memory_space<semaphore_mem>>)
    }
    %scan3A_43 = arith.constant 49 : i32
    %dma_wait3A = arith.constant 0 : i32
    %dma_wait3A_44 = arith.constant 0 : i32
    %dma_wait3A_45 = arith.constant 0 : i32
    %dma_wait3A_46 = tpu.memref_slice %arg6[%dma_wait3A_44, %dma_wait3A_45] : memref<256x128xf32, #tpu.memory_space<vmem>> -> memref<128x128xf32, #tpu.memory_space<vmem>>
    %dma_wait3A_47 = arith.constant 0 : i32
    %dma_wait3A_48 = tpu.memref_slice %arg5[%dma_wait3A, %dma_wait3A_47] : memref<200x128xi32, #tpu.memory_space<vmem>> -> memref<1x128xi32, #tpu.memory_space<vmem>>
    %dma_wait3A_49 = tpu.memref_squeeze %dma_wait3A_48 : memref<1x128xi32, #tpu.memory_space<vmem>> -> memref<128xi32, #tpu.memory_space<vmem>>
    %dma_wait3A_50 = arith.constant 0 : i32
    %dma_wait3A_51 = arith.constant 0 : i32
    %dma_wait3A_52 = tpu.memref_slice %arg3[%dma_wait3A_50, %dma_wait3A_51] : memref<100000x128xf32, #tpu.memory_space<hbm>> -> memref<100000x128xf32, #tpu.memory_space<hbm>>
    tpu.wait_indirect_dma semaphore(%arg8 : memref<!tpu.dma_semaphore, #tpu.memory_space<semaphore_mem>>) src(%dma_wait3A_52 : memref<100000x128xf32, #tpu.memory_space<hbm>>) dst(%dma_wait3A_46 : memref<128x128xf32, #tpu.memory_space<vmem>>)
    %dma_wait3A_53 = arith.constant 0 : i32
    %dma_wait3A_54 = arith.constant 128 : i32
    %dma_wait3A_55 = arith.constant 0 : i32
    %dma_wait3A_56 = tpu.memref_slice %arg6[%dma_wait3A_54, %dma_wait3A_55] : memref<256x128xf32, #tpu.memory_space<vmem>> -> memref<128x128xf32, #tpu.memory_space<vmem>>
    %dma_wait3A_57 = arith.constant 0 : i32
    %dma_wait3A_58 = tpu.memref_slice %arg5[%dma_wait3A_53, %dma_wait3A_57] : memref<200x128xi32, #tpu.memory_space<vmem>> -> memref<1x128xi32, #tpu.memory_space<vmem>>
    %dma_wait3A_59 = tpu.memref_squeeze %dma_wait3A_58 : memref<1x128xi32, #tpu.memory_space<vmem>> -> memref<128xi32, #tpu.memory_space<vmem>>
    %dma_wait3A_60 = arith.constant 0 : i32
    %dma_wait3A_61 = arith.constant 0 : i32
    %dma_wait3A_62 = tpu.memref_slice %arg3[%dma_wait3A_60, %dma_wait3A_61] : memref<100000x128xf32, #tpu.memory_space<hbm>> -> memref<100000x128xf32, #tpu.memory_space<hbm>>
    tpu.wait_indirect_dma semaphore(%arg8 : memref<!tpu.dma_semaphore, #tpu.memory_space<semaphore_mem>>) src(%dma_wait3A_62 : memref<100000x128xf32, #tpu.memory_space<hbm>>) dst(%dma_wait3A_56 : memref<128x128xf32, #tpu.memory_space<vmem>>)
    %dma_start3A_63 = arith.constant 98 : i32
    %dma_start3A_64 = arith.constant 0 : i32
    %dma_start3A_65 = arith.constant 0 : i32
    %dma_start3A_66 = tpu.memref_slice %arg4[%add3A, %dma_start3A_63, %dma_start3A_64, %dma_start3A_65] : memref<32x100x256x128xf32, #tpu.memory_space<hbm>> -> memref<1x1x256x128xf32, #tpu.memory_space<hbm>>
    %dma_start3A_67 = tpu.memref_squeeze %dma_start3A_66 : memref<1x1x256x128xf32, #tpu.memory_space<hbm>> -> memref<256x128xf32, #tpu.memory_space<hbm>>
    %dma_start3A_68 = arith.constant 0 : i32
    %dma_start3A_69 = arith.constant 0 : i32
    %dma_start3A_70 = tpu.memref_slice %arg4[%add3A, %dma_start3A_63, %dma_start3A_68, %dma_start3A_69] : memref<32x100x256x128xf32, #tpu.memory_space<hbm>> -> memref<1x1x256x128xf32, #tpu.memory_space<hbm>>
    %dma_start3A_71 = tpu.memref_squeeze %dma_start3A_70 : memref<1x1x256x128xf32, #tpu.memory_space<hbm>> -> memref<256x128xf32, #tpu.memory_space<hbm>>
    tpu.enqueue_dma source(%arg6 : memref<256x128xf32, #tpu.memory_space<vmem>>) target(%dma_start3A_71 : memref<256x128xf32, #tpu.memory_space<hbm>>) target_semaphore(%arg10 : memref<!tpu.dma_semaphore, #tpu.memory_space<semaphore_mem>>)
    %dma_wait3A_72 = arith.constant 0 : i32
    %dma_wait3A_73 = arith.constant 0 : i32
    %dma_wait3A_74 = arith.constant 0 : i32
    %dma_wait3A_75 = tpu.memref_slice %arg7[%dma_wait3A_73, %dma_wait3A_74] : memref<256x128xf32, #tpu.memory_space<vmem>> -> memref<128x128xf32, #tpu.memory_space<vmem>>
    %dma_wait3A_76 = arith.constant 0 : i32
    %dma_wait3A_77 = tpu.memref_slice %arg5[%dma_wait3A_72, %dma_wait3A_76] : memref<200x128xi32, #tpu.memory_space<vmem>> -> memref<1x128xi32, #tpu.memory_space<vmem>>
    %dma_wait3A_78 = tpu.memref_squeeze %dma_wait3A_77 : memref<1x128xi32, #tpu.memory_space<vmem>> -> memref<128xi32, #tpu.memory_space<vmem>>
    %dma_wait3A_79 = arith.constant 0 : i32
    %dma_wait3A_80 = arith.constant 0 : i32
    %dma_wait3A_81 = tpu.memref_slice %arg3[%dma_wait3A_79, %dma_wait3A_80] : memref<100000x128xf32, #tpu.memory_space<hbm>> -> memref<100000x128xf32, #tpu.memory_space<hbm>>
    tpu.wait_indirect_dma semaphore(%arg9 : memref<!tpu.dma_semaphore, #tpu.memory_space<semaphore_mem>>) src(%dma_wait3A_81 : memref<100000x128xf32, #tpu.memory_space<hbm>>) dst(%dma_wait3A_75 : memref<128x128xf32, #tpu.memory_space<vmem>>)
    %dma_wait3A_82 = arith.constant 0 : i32
    %dma_wait3A_83 = arith.constant 128 : i32
    %dma_wait3A_84 = arith.constant 0 : i32
    %dma_wait3A_85 = tpu.memref_slice %arg7[%dma_wait3A_83, %dma_wait3A_84] : memref<256x128xf32, #tpu.memory_space<vmem>> -> memref<128x128xf32, #tpu.memory_space<vmem>>
    %dma_wait3A_86 = arith.constant 0 : i32
    %dma_wait3A_87 = tpu.memref_slice %arg5[%dma_wait3A_82, %dma_wait3A_86] : memref<200x128xi32, #tpu.memory_space<vmem>> -> memref<1x128xi32, #tpu.memory_space<vmem>>
    %dma_wait3A_88 = tpu.memref_squeeze %dma_wait3A_87 : memref<1x128xi32, #tpu.memory_space<vmem>> -> memref<128xi32, #tpu.memory_space<vmem>>
    %dma_wait3A_89 = arith.constant 0 : i32
    %dma_wait3A_90 = arith.constant 0 : i32
    %dma_wait3A_91 = tpu.memref_slice %arg3[%dma_wait3A_89, %dma_wait3A_90] : memref<100000x128xf32, #tpu.memory_space<hbm>> -> memref<100000x128xf32, #tpu.memory_space<hbm>>
    tpu.wait_indirect_dma semaphore(%arg9 : memref<!tpu.dma_semaphore, #tpu.memory_space<semaphore_mem>>) src(%dma_wait3A_91 : memref<100000x128xf32, #tpu.memory_space<hbm>>) dst(%dma_wait3A_85 : memref<128x128xf32, #tpu.memory_space<vmem>>)
    %dma_start3A_92 = arith.constant 99 : i32
    %dma_start3A_93 = arith.constant 0 : i32
    %dma_start3A_94 = arith.constant 0 : i32
    %dma_start3A_95 = tpu.memref_slice %arg4[%add3A, %dma_start3A_92, %dma_start3A_93, %dma_start3A_94] : memref<32x100x256x128xf32, #tpu.memory_space<hbm>> -> memref<1x1x256x128xf32, #tpu.memory_space<hbm>>
    %dma_start3A_96 = tpu.memref_squeeze %dma_start3A_95 : memref<1x1x256x128xf32, #tpu.memory_space<hbm>> -> memref<256x128xf32, #tpu.memory_space<hbm>>
    %dma_start3A_97 = arith.constant 0 : i32
    %dma_start3A_98 = arith.constant 0 : i32
    %dma_start3A_99 = tpu.memref_slice %arg4[%add3A, %dma_start3A_92, %dma_start3A_97, %dma_start3A_98] : memref<32x100x256x128xf32, #tpu.memory_space<hbm>> -> memref<1x1x256x128xf32, #tpu.memory_space<hbm>>
    %dma_start3A_100 = tpu.memref_squeeze %dma_start3A_99 : memref<1x1x256x128xf32, #tpu.memory_space<hbm>> -> memref<256x128xf32, #tpu.memory_space<hbm>>
    tpu.enqueue_dma source(%arg7 : memref<256x128xf32, #tpu.memory_space<vmem>>) target(%dma_start3A_100 : memref<256x128xf32, #tpu.memory_space<hbm>>) target_semaphore(%arg11 : memref<!tpu.dma_semaphore, #tpu.memory_space<semaphore_mem>>)
    %dma_wait3A_101 = arith.constant 98 : i32
    %dma_wait3A_102 = arith.constant 0 : i32
    %dma_wait3A_103 = arith.constant 0 : i32
    %dma_wait3A_104 = tpu.memref_slice %arg4[%add3A, %dma_wait3A_101, %dma_wait3A_102, %dma_wait3A_103] : memref<32x100x256x128xf32, #tpu.memory_space<hbm>> -> memref<1x1x256x128xf32, #tpu.memory_space<hbm>>
    %dma_wait3A_105 = tpu.memref_squeeze %dma_wait3A_104 : memref<1x1x256x128xf32, #tpu.memory_space<hbm>> -> memref<256x128xf32, #tpu.memory_space<hbm>>
    %dma_wait3A_106 = arith.constant 0 : i32
    %dma_wait3A_107 = arith.constant 0 : i32
    %dma_wait3A_108 = tpu.memref_slice %arg4[%add3A, %dma_wait3A_101, %dma_wait3A_106, %dma_wait3A_107] : memref<32x100x256x128xf32, #tpu.memory_space<hbm>> -> memref<1x1x256x128xf32, #tpu.memory_space<hbm>>
    %dma_wait3A_109 = tpu.memref_squeeze %dma_wait3A_108 : memref<1x1x256x128xf32, #tpu.memory_space<hbm>> -> memref<256x128xf32, #tpu.memory_space<hbm>>
    tpu.wait_dma2 semaphore(%arg10 : memref<!tpu.dma_semaphore, #tpu.memory_space<semaphore_mem>>) src(%arg6 : memref<256x128xf32, #tpu.memory_space<vmem>>) dst(%dma_wait3A_109 : memref<256x128xf32, #tpu.memory_space<hbm>>)
    %dma_wait3A_110 = arith.constant 99 : i32
    %dma_wait3A_111 = arith.constant 0 : i32
    %dma_wait3A_112 = arith.constant 0 : i32
    %dma_wait3A_113 = tpu.memref_slice %arg4[%add3A, %dma_wait3A_110, %dma_wait3A_111, %dma_wait3A_112] : memref<32x100x256x128xf32, #tpu.memory_space<hbm>> -> memref<1x1x256x128xf32, #tpu.memory_space<hbm>>
    %dma_wait3A_114 = tpu.memref_squeeze %dma_wait3A_113 : memref<1x1x256x128xf32, #tpu.memory_space<hbm>> -> memref<256x128xf32, #tpu.memory_space<hbm>>
    %dma_wait3A_115 = arith.constant 0 : i32
    %dma_wait3A_116 = arith.constant 0 : i32
    %dma_wait3A_117 = tpu.memref_slice %arg4[%add3A, %dma_wait3A_110, %dma_wait3A_115, %dma_wait3A_116] : memref<32x100x256x128xf32, #tpu.memory_space<hbm>> -> memref<1x1x256x128xf32, #tpu.memory_space<hbm>>
    %dma_wait3A_118 = tpu.memref_squeeze %dma_wait3A_117 : memref<1x1x256x128xf32, #tpu.memory_space<hbm>> -> memref<256x128xf32, #tpu.memory_space<hbm>>
    tpu.wait_dma2 semaphore(%arg11 : memref<!tpu.dma_semaphore, #tpu.memory_space<semaphore_mem>>) src(%arg7 : memref<256x128xf32, #tpu.memory_space<vmem>>) dst(%dma_wait3A_118 : memref<256x128xf32, #tpu.memory_space<hbm>>)
    return
  }
}

</mosaic_0001>

<sc_bundles>
// kernel: kernel.3.cloned.1.call-start
scs
__scs_entry_jumppad:
0x0: {  	(pc) =	sbr.rel $0x88, $3  }
0x1: {  	(tag) =	ssettag $0x0;
	lr =	simm.s32 $0x1  }
0x2: {  	[smem:$0x3F9F] =	sst lr;
	_ =	strace $0xD0000000  }
0x3: {  	_ = 	snop  }
0x4: {  	_ = 	snop  }
0x5: {  	_ = 	snop  }
0x6: {  	_ = 	snop  }
0x7: {  	_ = 	snop  }
__scs_overlays_trampoline_lowered:
0x8: {  	[smem:$0x3FAE] =	sst s0  }
0x9: {  	[smem:$0x3FAF] =	sst s1  }
0xa: {  	[smem:$0x3FB0] =	sst s2  }
0xb: {  	[smem:$0x3FB1] =	sst s3  }
0xc: {  	[smem:$0x3FB2] =	sst s4  }
0xd: {  	[smem:$0x3FB3] =	sst s5  }
0xe: {  	[smem:$0x3FB4] =	sst s6  }
0xf: {  	[smem:$0x3FB5] =	sst s7  }
0x10: {  	[smem:$0x3FB6] =	sst s8  }
0x11: {  	[smem:$0x3FB7] =	sst s9;
	s0 =	simm.s32 @!p0 $0x0  }
0x12: {  	s1 =	sld [smem:$0x3F9D];
	s0 =	simm.s32 @p0 $0x1  }
0x13: {  	[smem:$0x3FB8] =	sst s0;
	s0 =	simm.s32 @!p1 $0x0  }
0x14: {  	s2 =	sld [smem:$0x3F9C];
	s0 =	simm.s32 @p1 $0x1  }
0x15: {  	[smem:$0x3FB9] =	sst s0;
	s0 =	simm.s32 @!p2 $0x0  }
0x16: {  	s3 =	sld [smem:$0x3FDB];
	s0 =	simm.s32 @p2 $0x1  }
0x17: {  	s4 =	simm.s32 $0x1BF5;
	[smem:$0x3FBB] =	sst s0  }
0x18: {  	s0 =	sld [smem:$0x3F9E];
	_ =	swait.ge [sflag:s4], $0x0  }
0x19: {  	s7 =	sld [smem:$0x3F9F]  }
0x1a: {  	s8 =	sadd.s32 $0xFFFFE003, lr  }
0x1b: {  	s9 =	sadd.s32 $0xFFFFFEF7, lr;
	s5 =	simm.s32 $0xFFFFFFFF;
	p2 =	slt.u32 s8, $0xFFFFF086  }
0x1c: {  	p1 =	slt.u32 s9, $0xF7A;
	s5 =	simm.s32 @!p2 $0x0  }
0x1d: {  	s5 =	simm.s32 @p1 $0x1;
	p0 =	seq.s32 s7, s2  }
0x1e: {  	s7 =	smul.u32 @!p0 $0xF7A, s2;
	p2 =	seq.s32 @!p0 s5, $0x0  }
0x1f: {  	s9 =	smul.u32 $0xF7A, s1;
	s8 =	simm.s32 @!p0 $0x1BF5;
	p2 =	por !p2, p0  }
0x20: {  	[sflag:s8] =	ssyncset.s32 @!p0 $0xFFFFF086;
	s6 =	sadd.s32 @!p0 s3, s7;
	s7 =	simm.s32 @!p0 $0x108  }
0x21: {  	s3 =	sadd.s32 s3, s9;
	s6 =	sadd.s32 @!p0 $0x88, s6;
	s7 =	simm.s32 @p2 $0x1082  }
0x22: {  	[simem:s7], [sflag:s8] =	dma.local @!p0 [hbm:s6], $0xF7A  }
0x23: {  	s9 =	sor.u32 $0xD0000000, s2;
	s6 =	simm.s32 $0x108;
	_ =	swait.ge @!p0 [sflag:s8], $0x0  }
0x24: {  	s3 =	sadd.s32 $0x88, s3;
	s6 =	simm.s32 @!p1 $0x1082;
	[sflag:s4] =	ssyncset.s32 $0xFFFFF086  }
0x25: {  	[simem:s6], [sflag:s4] =	dma.local [hbm:s3], $0xF7A  }
0x26: {  	[smem:$0x3F9F] =	sst s1;
	(tag) =	ssettag s2;
	_ =	strace s9  }
0x27: {  	s1 =	sld [smem:$0x3FAF]  }
0x28: {  	s2 =	sld [smem:$0x3FB0]  }
0x29: {  	s4 =	sld [smem:$0x3FB2]  }
0x2a: {  	p0 =	seq.s32 s5, $0x0;
	s5 =	sld [smem:$0x3FB3]  }
0x2b: {  	s6 =	sld [smem:$0x3FB4]  }
0x2c: {  	s7 =	sld [smem:$0x3FB5]  }
0x2d: {  	s3 =	simm.s32 $0x108;
	s8 =	sld [smem:$0x3FB6]  }
0x2e: {  	s3 =	simm.s32 @!p0 $0x1082;
	s9 =	sld [smem:$0x3FB7]  }
0x2f: {  	lr =	sadd.s32 s0, s3;
	s0 =	sld [smem:$0x3FAE]  }
0x30: {  	s3 =	sld [smem:$0x3FB1]  }
0x31: {  	[smem:$0x3FBA] =	sst s10  }
0x32: {  	s10 =	sld [smem:$0x3FB8];
	_ =	sdelay $0x3  }
0x33: {  	p0 =	seq.s32 s10, $0x1;
	s10 =	sld [smem:$0x3FBA];
	_ =	sdelay $0x3  }
0x34: {  	[smem:$0x3FBA] =	sst s10  }
0x35: {  	s10 =	sld [smem:$0x3FB9];
	_ =	sdelay $0x3  }
0x36: {  	p1 =	seq.s32 s10, $0x1;
	s10 =	sld [smem:$0x3FBA];
	_ =	sdelay $0x3  }
0x37: {  	[smem:$0x3FBA] =	sst s10  }
0x38: {  	s10 =	sld [smem:$0x3FBB]  }
0x39: {  	_ = 	snop;
	(pc) =	sbr.ind lr, $3  }
0x3a: {  	_ = 	snop  }
0x3b: {  	_ = 	snop  }
0x3c: {  	p2 =	seq.s32 s10, $0x1;
	s10 =	sld [smem:$0x3FBA]  }
0x3d: {  	_ =	shalt  }
0x3e: {  	_ =	shalt  }
0x3f: {  	_ =	shalt  }
0x40: {  	_ =	shalt  }
0x41: {  	_ =	shalt  }
0x42: {  	_ =	shalt  }
0x43: {  	_ =	shalt  }
0x44: {  	_ =	shalt  }
0x45: {  	_ =	shalt  }
0x46: {  	_ =	shalt  }
0x47: {  	_ =	shalt  }
0x48: {  	_ =	shalt  }
0x49: {  	_ =	shalt  }
0x4a: {  	_ =	shalt  }
0x4b: {  	_ =	shalt  }
0x4c: {  	_ =	shalt  }
0x4d: {  	_ =	shalt  }
0x4e: {  	_ =	shalt  }
0x4f: {  	_ =	shalt  }
0x50: {  	_ =	shalt  }
0x51: {  	_ =	shalt  }
0x52: {  	_ =	shalt  }
0x53: {  	_ =	shalt  }
0x54: {  	_ =	shalt  }
0x55: {  	_ =	shalt  }
0x56: {  	_ =	shalt  }
0x57: {  	_ =	shalt  }
0x58: {  	_ =	shalt  }
0x59: {  	_ =	shalt  }
0x5a: {  	_ =	shalt  }
0x5b: {  	_ =	shalt  }
0x5c: {  	_ =	shalt  }
0x5d: {  	_ =	shalt  }
0x5e: {  	_ =	shalt  }
0x5f: {  	_ =	shalt  }
0x60: {  	_ =	shalt  }
0x61: {  	_ =	shalt  }
0x62: {  	_ =	shalt  }
0x63: {  	_ =	shalt  }
0x64: {  	_ =	shalt  }
0x65: {  	_ =	shalt  }
0x66: {  	_ =	shalt  }
0x67: {  	_ =	shalt  }
0x68: {  	_ =	shalt  }
0x69: {  	_ =	shalt  }
0x6a: {  	_ =	shalt  }
0x6b: {  	_ =	shalt  }
0x6c: {  	_ =	shalt  }
0x6d: {  	_ =	shalt  }
0x6e: {  	_ =	shalt  }
0x6f: {  	_ =	shalt  }
0x70: {  	_ =	shalt  }
0x71: {  	_ =	shalt  }
0x72: {  	_ =	shalt  }
0x73: {  	_ =	shalt  }
0x74: {  	_ =	shalt  }
0x75: {  	_ =	shalt  }
0x76: {  	_ =	shalt  }
0x77: {  	_ =	shalt  }
0x78: {  	_ =	shalt  }
0x79: {  	_ =	shalt  }
0x7a: {  	_ =	shalt  }
0x7b: {  	_ =	shalt  }
0x7c: {  	_ =	shalt  }
0x7d: {  	_ =	shalt  }
0x7e: {  	_ =	shalt  }
0x7f: {  	_ =	shalt  }
0x80: {  	_ =	shalt  }
0x81: {  	_ =	shalt  }
0x82: {  	_ =	shalt  }
0x83: {  	_ =	shalt  }
0x84: {  	_ =	shalt  }
0x85: {  	_ =	shalt  }
0x86: {  	_ =	shalt  }
0x87: {  	_ =	shalt  }
.Lfunc_end0:
.L_simem_size_0:
called_computation_lowered:
.L_overlay_start_0:
0x88: {  	s2 =	sld [smem:$0x3FD9]  }
0x89: {  	s3 =	sld [smem:$0x3FFE];
	_ =	sdelay $0x1  }
0x8a: {  	s1 =	srdreg.scid  }
0x8b: {  	s0 =	sand.u32 $0x1, s1  }
0x8c: {  	s17 =	sshll.u32 s0, $0xA;
	s2 =	sadd.s32 s3, s2  }
0x8d: {  	s2 =	sadd.s32 s2, s17  }
0x8e: {  	[smem:$0x3FC6] =	sst s2  }
0x8f: {  	_ = 	snop  }
0x90: {  	s2 =	sld [smem:$0x3FC8]  }
0x91: {  	s18 =	sld [smem:$0x3FD0];
	(tm) =	ssettm $0x1  }
0x92: {  	s4 =	sld [smem:$0x3FFB];
	_ =	sdelay $0x3  }
0x93: {  	_ =	strace s4  }
0x94: {  	s4 =	sld [smem:$0x3FFC];
	_ =	sdelay $0x3  }
0x95: {  	_ =	strace s4  }
0x96: {  	s4 =	sld [smem:$0x3FFD];
	_ =	sdelay $0x3  }
0x97: {  	_ =	strace s4  }
0x98: {  	_ =	strace $0x8FFFFFFF  }
0x99: {  	s19 =	sld [smem:$0x3FDB];
	_ =	sdelay $0x1  }
0x9a: {  	s5 =	simm.s32 $_scs_section_size  }
0x9b: {  	s6 =	simm.s32 $_size__tile_overlayer_lowered;
	s7 =	simm.s32 $_tile_overlayer_lowered  }
0x9c: {  	s22 =	simm.s32 $0x1BFF;
	s21 =	sshll.u32 s7, $0x1;
	s4 =	sadd.s32 s5, s19  }
0x9d: {  	s8 =	simm.s32 $0x0;
	s20 =	sshll.u32 s6, $0x1;
	s6 =	sadd.s32 s21, s4  }
0x9e: {  	[timem:s8], [sflag:s22] =	dma.local [hbm:s6], s20  }
0x9f: {  	_ =	swait.ge [sflag:s22], s20  }
0xa0: {  	s5 =	ssub.s32 $0x0, s20;
	[sflag:s22] =	ssyncset.done $0x0  }
0xa1: {  	[sflag:s22] =	ssyncadd.s32 s5;
	_ =	sdelay $0x1  }
0xa2: {  	s23 =	simm.s32 $0x1B8B  }
0xa3: {  	_ =	swait.ge [sflag:s23], $0x1  }
0xa4: {  	[sflag:s23] =	ssyncset.done $0x0  }
0xa5: {  	s25 =	simm.s32 $0x1B8E;
	s24 =	sld [smem:$0x3FFE];
	[sflag:s23] =	ssyncadd.s32 $0xFFFFFFFF  }
0xa6: {  	s26 =	simm.s32 $execute0_lowered;
	[smem:$0x3FD2] =	sst s25  }
0xa7: {  	s6 =	sshll.u32 s26, $0x1;
	_ =	strace $0x80000046;
	[dreg:$0x1] =	wrdreg $0xFFFFFFFF  }
0xa8: {  	s28 =	simm.s32 $_size_execute0_lowered;
	s4 =	sadd.s32 s4, s6;
	[dreg:$0x0] =	wrdreg $0x0  }
0xa9: {  	s6 =	sshll.u32 s28, $0x1;
	[dreg:$0x2] =	wrdreg s4  }
0xaa: {  	[dreg:$0x3] =	wrdreg s6  }
0xab: {  	[dreg:$0x4] =	wrdreg $0xC0  }
0xac: {  	_ =	task [dreg:s8], $0x5FFFF  }
0xad: {  	[dreg:$0x1] =	wrdreg $0xFFFFFFFF  }
0xae: {  	[dreg:$0x0] =	wrdreg $0x60  }
0xaf: {  	[dreg:$0x2] =	wrdreg s24  }
0xb0: {  	[dreg:$0x3] =	wrdreg s2  }
0xb1: {  	[dreg:$0x4] =	wrdreg s18  }
0xb2: {  	[dreg:$0x5] =	wrdreg $0x9  }
0xb3: {  	_ =	task.clear_ibuf [dreg:s8], $0x6FFFF;
	_ =	strace $0x90000046  }
0xb4: {  	s29 =	simm.s32 $0x9;
	_ =	strace $0x80000048  }
0xb5: {  	_ =	swait.ge [sflag:s29], $0x1  }
0xb6: {  	[sflag:s29] =	ssyncadd.s32 $0xFFFFFFFF  }
0xb7: {  	_ =	strace $0x90000048  }
0xb8: {  	_ =	sfence  }
0xb9: {  	s30 =	sld [smem:$0x0];
	_ =	sdelay $0x2  }
0xba: {  	s31 =	sshll.u32 s1, $0xD;
	s1 =	sshrl.u32 s1, $0x2  }
0xbb: {  	s3 =	sand.u32 $0x4000, s31;
	s1 =	sadd.s32 s1, s30  }
0xbc: {  	s0 =	sor.u32 s3, s0;
	s1 =	sshll.u32 s1, $0x11  }
0xbd: {  	s0 =	sor.u32 s1, s0  }
0xbe: {  	s0 =	sadd.s32 $0x8F2B, s0  }
0xbf: {  	[sflag:s0] =	ssyncadd.remote.s32 $0x1  }
0xc0: {  	_ =	sfence.sel $0xFFFF  }
0xc1: {  	[dreg:$0x0] =	wrdreg $0xFFFFFFFF;
	(pc) =	sbr.abs _section_cstart, $3  }
0xc2: {  	[dreg:$0x1] =	wrdreg $0xFFFFFFFF  }
0xc3: {  	_ =	task.clear_ibuf [dreg:s8], $0x2FFFF;
	_ =	strace $0x9FFFFFFF  }
0xc4: {  	(tm) =	ssettm $0x7FFFFFFF  }
0xc5: {  	_ =	shalt  }
tec
execute0_lowered:
.L_overlay_start_1:
0x0: {  	(tag) =	ssettag $0x1  }
0x1: {  	s4 =	rddreg [dreg:$0x0]  }
0x2: {  	s1 =	srdreg.scid;
	s2 =	rddreg [dreg:$0x1]  }
0x3: {  	s0 =	stileid.u32;
	s9 =	rddreg [dreg:$0x2];
	s3 =	simm.s32 $0x0  }
0x4: {  	s12 =	simm.s32 $0x6400;
	s13 =	simm.s32 $0xA400;
	s14 =	simm.s32 $0x100  }
0x5: {  	s15 =	simm.s32 $0xE400;
	s16 =	simm.s32 $0x180;
	s17 =	simm.s32 $0x12400  }
0x6: {  	s18 =	simm.s32 $0x1;
	s19 =	simm.s32 $0x3;
	s20 =	simm.s32 $0x2  }
0x7: {  	s21 =	simm.s32 $0x4;
	s22 =	simm.s32 $0x0;
	s5 =	sand.u32 $0x1, s1  }
0x8: {  	s28 =	sshll.u32 s0, $0x1;
	s1 =	rddreg [dreg:$0x3];
	s10 =	smul.u32 $0x640000, s0  }
0x9: {  	s6 =	sor.u32 s5, s28;
	s8 =	ssub.s32 $0x2, s5;
	s5 =	smul.u32 $0x320000, s5  }
0xa: {  	[smem:$0x7FF] =	sst s3;
	s7 =	smul.u32 $0xC80, s6;
	s11 =	sshrl.u32 s8, $0x1  }
0xb: {  	_ =	strace $0x80000047;
	s6 =	smul.u32 $0x320000, s6;
	s29 =	ssub.s32 s8, s11  }
0xc: {  	s30 =	sadd.s32 s5, s10;
	s11 =	simm.s32 $0x80;
	s4 =	sadd.s32 s7, s4  }
0xd: {  	s6 =	sshrl.u32 s6, $0x3;
	s10 =	sor.u32 $0x8000, s30;
	s7 =	smax.u32 s29, $0x1  }
0xe: {  	s31 =	sshrl.u32 s30, $0x3;
	s4 =	sadd.s32 $0x400, s4;
	s6 =	sadd.s32 s9, s6  }
0xf: {  	s10 =	sshrl.u32 s10, $0x3;
	s5 =	sadd.s32 $0x62000, s6;
	s6 =	sadd.s32 $0x63000, s6  }
0x10: {  	s8 =	sadd.s32 s10, s9;
	s9 =	sadd.s32 s31, s9;
	s10 =	simm.s32 $0x5  }
.LBB2_1:
0x11: {  	[tilespmem:s3], [sflag:$0x5] =	stream.linear.gather [hbm4b:s4+s3], $0x6400, $0x38;
	[tilespmem:$0x16400] =	vst v63  }
0x12: {  	_ =	swait.ge [sflag:s10], $0x6400  }
0x13: {  	[sflag:s10] =	ssyncset.done $0x0  }
0x14: {  	[sflag:s10] =	ssyncadd.s32 $0xFFFF9C00  }
0x15: {  	[tilespmem:s12], [sflag:$0x1] =	stream.indirect.gather [hbm4b:s2+s11], $0x80, s3, s11, $0xb8;
	[tilespmem:$0x16400] =	vst v63  }
0x16: {  	_ = 	snop  }
0x17: {  	[tilespmem:s13], [sflag:$0x1] =	stream.indirect.gather [hbm4b:s2+s11], $0x80, s11, s11, $0xb8;
	[tilespmem:$0x16400] =	vst v63  }
0x18: {  	_ = 	snop  }
0x19: {  	[tilespmem:s15], [sflag:$0x2] =	stream.indirect.gather [hbm4b:s2+s11], $0x80, s14, s11, $0xb8;
	[tilespmem:$0x16400] =	vst v63  }
0x1a: {  	_ = 	snop  }
0x1b: {  	[tilespmem:s17], [sflag:$0x2] =	stream.indirect.gather [hbm4b:s2+s11], $0x80, s16, s11, $0xb8;
	[tilespmem:$0x16400] =	vst v63  }
0x1c: {  	_ =	swait.ge [sflag:s18], $0x4000  }
0x1d: {  	[sflag:s18] =	ssyncset.done $0x0  }
0x1e: {  	[sflag:s18] =	ssyncadd.s32 $0xFFFFC000  }
0x1f: {  	_ =	swait.ge [sflag:s18], $0x4000  }
0x20: {  	[sflag:s18] =	ssyncset.done $0x0  }
0x21: {  	[sflag:s18] =	ssyncadd.s32 $0xFFFFC000  }
0x22: {  	[hbm4b:s9+s3] =	stream.linear.scatter [tilespmem:s12], [sflag:$0x3], $0x8000, $0x38;
	[tilespmem:$0x16400] =	vst v63  }
0x23: {  	_ =	swait.ge [sflag:s19], $0x8000  }
0x24: {  	[sflag:s19] =	ssyncset.done $0x0  }
0x25: {  	s23 =	simm.s32 $0x200;
	[sflag:s19] =	ssyncadd.s32 $0xFFFF8000  }
0x26: {  	[tilespmem:s12], [sflag:$0x1] =	stream.indirect.gather [hbm4b:s2+s11], $0x80, s23, s11, $0xb8;
	[tilespmem:$0x16400] =	vst v63  }
0x27: {  	s30 =	simm.s32 $0x280  }
0x28: {  	[tilespmem:s13], [sflag:$0x1] =	stream.indirect.gather [hbm4b:s2+s11], $0x80, s30, s11, $0xb8;
	[tilespmem:$0x16400] =	vst v63  }
0x29: {  	_ =	swait.ge [sflag:s20], $0x4000  }
0x2a: {  	[sflag:s20] =	ssyncset.done $0x0  }
0x2b: {  	[sflag:s20] =	ssyncadd.s32 $0xFFFFC000  }
0x2c: {  	_ =	swait.ge [sflag:s20], $0x4000  }
0x2d: {  	[sflag:s20] =	ssyncset.done $0x0  }
0x2e: {  	[sflag:s20] =	ssyncadd.s32 $0xFFFFC000  }
0x2f: {  	[hbm4b:s8+s3] =	stream.linear.scatter [tilespmem:s15], [sflag:$0x4], $0x8000, $0x38;
	[tilespmem:$0x16400] =	vst v63  }
0x30: {  	s31 =	simm.s32 $0x300;
	_ =	swait.ge [sflag:s21], $0x8000  }
0x31: {  	s26 =	simm.s32 $0x380;
	s24 =	sadd.s32 $0x2000, s8;
	[sflag:s21] =	ssyncset.done $0x0  }
0x32: {  	s25 =	sadd.s32 $0x2000, s9;
	s23 =	simm.s32 $0x800;
	[sflag:s21] =	ssyncadd.s32 $0xFFFF8000  }
0x33: {  	[tilespmem:s15], [sflag:$0x2] =	stream.indirect.gather [hbm4b:s2+s11], $0x80, s31, s11, $0xb8;
	[tilespmem:$0x16400] =	vst v63  }
.LBB2_2:
0x34: {  	[tilespmem:s17], [sflag:$0x2] =	stream.indirect.gather [hbm4b:s2+s11], $0x80, s26, s11, $0xb8;
	[tilespmem:$0x16400] =	vst v63  }
0x35: {  	s26 =	smov.u32 s23  }
0x36: {  	p0 =	sne.s32 s23, $0x18000;
	s23 =	sadd.s32 $0x800, s23;
	_ =	swait.ge [sflag:s18], $0x4000  }
0x37: {  	[sflag:s18] =	ssyncset.done $0x0  }
0x38: {  	[sflag:s18] =	ssyncadd.s32 $0xFFFFC000  }
0x39: {  	_ =	swait.ge [sflag:s18], $0x4000  }
0x3a: {  	[sflag:s18] =	ssyncset.done $0x0  }
0x3b: {  	[sflag:s18] =	ssyncadd.s32 $0xFFFFC000  }
0x3c: {  	[hbm4b:s25+s3] =	stream.linear.scatter [tilespmem:s12], [sflag:$0x3], $0x8000, $0x38;
	[tilespmem:$0x16400] =	vst v63  }
0x3d: {  	_ =	swait.ge [sflag:s19], $0x8000  }
0x3e: {  	s26 =	sshra.s32 s26, $0x2;
	[sflag:s19] =	ssyncset.done $0x0  }
0x3f: {  	s28 =	sadd.s32 $0x200, s26;
	[sflag:s19] =	ssyncadd.s32 $0xFFFF8000  }
0x40: {  	[tilespmem:s12], [sflag:$0x1] =	stream.indirect.gather [hbm4b:s2+s11], $0x80, s28, s11, $0xb8;
	[tilespmem:$0x16400] =	vst v63  }
0x41: {  	s28 =	sadd.s32 $0x280, s26  }
0x42: {  	[tilespmem:s13], [sflag:$0x1] =	stream.indirect.gather [hbm4b:s2+s11], $0x80, s28, s11, $0xb8;
	[tilespmem:$0x16400] =	vst v63  }
0x43: {  	_ =	swait.ge [sflag:s20], $0x4000  }
0x44: {  	[sflag:s20] =	ssyncset.done $0x0  }
0x45: {  	[sflag:s20] =	ssyncadd.s32 $0xFFFFC000  }
0x46: {  	_ =	swait.ge [sflag:s20], $0x4000  }
0x47: {  	[sflag:s20] =	ssyncset.done $0x0  }
0x48: {  	[sflag:s20] =	ssyncadd.s32 $0xFFFFC000  }
0x49: {  	[hbm4b:s24+s3] =	stream.linear.scatter [tilespmem:s15], [sflag:$0x4], $0x8000, $0x38;
	[tilespmem:$0x16400] =	vst v63  }
.Ltmp0:
0x4a: {  	_ =	swait.ge [sflag:s21], $0x8000;
	(pc) =	sbr.rel @p0 .LBB2_2-.Ltmp0, $4  }
0x4b: {  	[sflag:s21] =	ssyncset.done $0x0  }
0x4c: {  	s28 =	sadd.s32 $0x300, s26;
	[sflag:s21] =	ssyncadd.s32 $0xFFFF8000  }
0x4d: {  	[tilespmem:s15], [sflag:$0x2] =	stream.indirect.gather [hbm4b:s2+s11], $0x80, s28, s11, $0xb8;
	[tilespmem:$0x16400] =	vst v63  }
0x4e: {  	s25 =	sadd.s32 $0x2000, s25;
	s26 =	sadd.s32 $0x380, s26;
	s24 =	sadd.s32 $0x2000, s24  }
0x4f: {  	[tilespmem:s17], [sflag:$0x2] =	stream.indirect.gather [hbm4b:s2+s11], $0x80, s26, s11, $0xb8;
	[tilespmem:$0x16400] =	vst v63  }
0x50: {  	_ =	swait.ge [sflag:s18], $0x4000  }
0x51: {  	[sflag:s18] =	ssyncset.done $0x0  }
0x52: {  	[sflag:s18] =	ssyncadd.s32 $0xFFFFC000  }
0x53: {  	_ =	swait.ge [sflag:s18], $0x4000  }
0x54: {  	[sflag:s18] =	ssyncset.done $0x0  }
0x55: {  	[sflag:s18] =	ssyncadd.s32 $0xFFFFC000  }
0x56: {  	[hbm4b:s5+s3] =	stream.linear.scatter [tilespmem:s12], [sflag:$0x3], $0x8000, $0x38;
	[tilespmem:$0x16400] =	vst v63  }
0x57: {  	_ =	swait.ge [sflag:s20], $0x4000  }
0x58: {  	[sflag:s20] =	ssyncset.done $0x0  }
0x59: {  	[sflag:s20] =	ssyncadd.s32 $0xFFFFC000  }
0x5a: {  	_ =	swait.ge [sflag:s20], $0x4000  }
0x5b: {  	[sflag:s20] =	ssyncset.done $0x0  }
0x5c: {  	s22 =	sadd.s32 $0x1, s22;
	[sflag:s20] =	ssyncadd.s32 $0xFFFFC000  }
0x5d: {  	[hbm4b:s6+s3] =	stream.linear.scatter [tilespmem:s15], [sflag:$0x4], $0x8000, $0x38;
	[tilespmem:$0x16400] =	vst v63  }
0x5e: {  	p0 =	sne.s32 s22, s7;
	_ =	swait.ge [sflag:s19], $0x8000  }
.Ltmp1:
0x5f: {  	[sflag:s19] =	ssyncset.done $0x0;
	(pc) =	sbr.rel @p0 .LBB2_1-.Ltmp1, $4  }
0x60: {  	[sflag:s19] =	ssyncadd.s32 $0xFFFF8000  }
0x61: {  	_ =	swait.ge [sflag:s21], $0x8000  }
0x62: {  	[sflag:s21] =	ssyncset.done $0x0  }
0x63: {  	[sflag:s21] =	ssyncadd.s32 $0xFFFF8000  }
0x64: {  	_ =	sfence.sel $0x180000  }
0x65: {  	[bflag:$0x0] =	sbarrier.arrive $0xFFFF  }
0x66: {  	p0 =	sne.s32 s0, $0x0;
	_ =	strace $0x90000047  }
0x67: {  	s0 =	sadd.s32 @!p0 $0x100000, s1;
	[bflag:$0x2] =	sbarrier.arrive $0xFFFF  }
0x68: {  	[sflag:s0] =	ssyncadd.tile.s32 @!p0 $0x1;
	_ =	shalt  }
.Lfunc_end2:
_tile_overlayer_lowered:
.L_overlay_start_2:
0x69: {  	(tag) =	ssettag $0x2  }
0x6a: {  	s0 =	rddreg [dreg:$0x0];
	s2 =	stileid.u32  }
0x6b: {  	s1 =	rddreg [dreg:$0x1];
	p0 =	sne.s32 s2, $0x0  }
0x6c: {  	s3 =	rddreg [dreg:$0x2];
	[bflag:$0x3] =	sbarrier.arrive $0xFFFF;
	s2 =	simm.s32 @!p0 $0x1C05  }
0x6d: {  	[timem:s3], [sflag:s2] =	dma.local @!p0 [hbm:s0], s1  }
0x6e: {  	s0 =	simm.s32 @!p0 $0x5  }
0x6f: {  	_ =	swait.ge @!p0 [sflag:s0], s1  }
0x70: {  	s1 =	ssub.s32 @!p0 $0x0, s1;
	[sflag:s0] =	ssyncset.done @!p0 $0x0  }
0x71: {  	[sflag:s0] =	ssyncadd.s32 @!p0 s1  }
0x72: {  	[bflag:$0x3] =	sbarrier.arrive $0xFFFF  }
0x73: {  	_ =	shalt  }

</sc_bundles>
